<compile_context>
chip_gen: v7x
topology: tpu7x:2x2x1
jax: 0.10.2.dev20260603
libtpu: 0.0.44.dev20260713+nightly
codegen_flags: <defaults>
</compile_context>

<pallas_src>
import jax
import jax.numpy as jnp
from jax import lax
from jax.experimental import pallas as pl
from jax.experimental.pallas import tpu as pltpu
from jax.experimental.pallas import tpu_sc as plsc

D_MODEL = 128
MAX_REL = 128
LENGTH = 1024
BASE = 1152
B_ROWS = 2176
B_ROWS_PAD = 2304
NWORKERS = 32
ROWS_PER_TILE = B_ROWS_PAD // NWORKERS
ROWS_PER_STEP = 8
LANES = 16


def _sc_gather_body(table_hbm, b_hbm, idx_v, rows_v, sem):
    c = lax.axis_index("c")
    s = lax.axis_index("s")
    wid = s * 2 + c
    base = wid * ROWS_PER_TILE

    for o in (0, 16, 32, 48, ROWS_PER_TILE - LANES):
        e = base + o + lax.iota(jnp.int32, LANES)
        idx = jnp.clip(e - BASE, -MAX_REL, MAX_REL) + MAX_REL
        idx_v[pl.ds(o, LANES)] = idx

    pltpu.async_copy(table_hbm.at[idx_v], rows_v, sem).wait()
    pltpu.sync_copy(rows_v, b_hbm.at[pl.ds(base, ROWS_PER_TILE)])


def _tc_stream_body(b_ref, out_ref):
    i0 = pl.program_id(0) * ROWS_PER_STEP
    for r in range(ROWS_PER_STEP):
        out_ref[r, :, :] = b_ref[pl.ds(BASE - (i0 + r), LENGTH), :]


def kernel(length, table):
    del length
    mesh = plsc.VectorSubcoreMesh(core_axis_name="c", subcore_axis_name="s")
    b = pl.kernel(
        _sc_gather_body,
        mesh=mesh,
        out_type=jax.ShapeDtypeStruct((B_ROWS_PAD, D_MODEL), jnp.float32),
        scratch_types=[
            pltpu.VMEM((ROWS_PER_TILE,), jnp.int32),
            pltpu.VMEM((ROWS_PER_TILE, D_MODEL), jnp.float32),
            pltpu.SemaphoreType.DMA,
        ],
    )(table)
    return pl.pallas_call(
        _tc_stream_body,
        grid=(LENGTH // ROWS_PER_STEP,),
        in_specs=[pl.BlockSpec((B_ROWS_PAD, D_MODEL), lambda i: (0, 0))],
        out_specs=pl.BlockSpec(
            (ROWS_PER_STEP, LENGTH, D_MODEL), lambda i: (i, 0, 0)
        ),
        out_shape=jax.ShapeDtypeStruct((LENGTH, LENGTH, D_MODEL), jnp.float32),
    )(b)

# --- scband reference (transcript-rebuilt; emitter-appended) ---
"""Pipeline reference for scband-relative-positional-encoding-72292889527113 (READ-ONLY COPY).

The authoritative reference and input builder live on the scoring server;
editing this copy changes nothing except your own understanding.
"""

import jax, jax.numpy as jnp
import numpy as np

D_MODEL = 128
MAX_REL = 128
LENGTH = 1024

def setup_inputs(seed: int = 0) -> dict:
    key = jax.random.key(seed)
    # learned embedding table: nn.Embedding(2*max_relative_position+1, d_model)
    table = jax.random.normal(key, (2 * MAX_REL + 1, D_MODEL), dtype=jnp.float32)
    return {"length": 1024, "table": table}

def reference(length, table):
    length = jnp.asarray(length, dtype=jnp.int32)
    range_vec = jnp.arange(LENGTH, dtype=jnp.int32) + (length - LENGTH)
    distance_mat = range_vec[None, :] - range_vec[:, None]
    distance_mat_clipped = jnp.clip(distance_mat, -MAX_REL, MAX_REL)
    final_mat = distance_mat_clipped + MAX_REL
    # embedding lookup == row gather from the table
    return jnp.take(table, final_mat, axis=0)

if __name__ == "__main__":
    import jax
    _d = setup_inputs()
    print(jax.jit(kernel)(*tuple(_d.values())))

</pallas_src>

<mosaic_0001>
#map = affine_map<(d0, d1) -> (0, 0)>
module attributes {stable_mosaic.version = 14 : i64} {
  func.func @_sc_gather_body(%arg0: i32, %arg1: i32, %arg2: memref<257x128xf32, #tpu.memory_space<hbm>>, %arg3: memref<2304x128xf32, #tpu.memory_space<hbm>>, %arg4: memref<72xi32, #tpu.memory_space<vmem>>, %arg5: memref<72x128xf32, #tpu.memory_space<vmem>>, %arg6: memref<!tpu.dma_semaphore, #tpu.memory_space<semaphore_mem>>) attributes {dimension_semantics = [#tpu.dimension_semantics<core_parallel>, #tpu.dimension_semantics<subcore_parallel>], iteration_bounds = array<i64: 2, 16>, scalar_prefetch = 0 : i64, scratch_operands = 3 : i64, tpu.core_type = #tpu.core_type<sc_vector_subcore>, window_params = [{transform_indices = #map}, {transform_indices = #map}]} {
    %mul3A = arith.constant 2 : i32
    %mul3A_0 = arith.muli %arg1, %mul3A : i32
    %add3A = arith.addi %mul3A_0, %arg0 : i32
    %mul3A_1 = arith.constant 72 : i32
    %mul3A_2 = arith.muli %add3A, %mul3A_1 : i32
    %add3A_3 = arith.constant 0 : i32
    %add3A_4 = arith.addi %mul3A_2, %add3A_3 : i32
    %iota3A = tpu.iota {dimensions = array<i32: 0>} : vector<16xi32>
    %add3A_5 = vector.broadcast %add3A_4 : i32 to vector<16xi32>
    %add3A_6 = arith.addi %add3A_5, %iota3A : vector<16xi32>
    %sub3A = arith.constant 1152 : i32
    %sub3A_7 = vector.broadcast %sub3A : i32 to vector<16xi32>
    %sub3A_8 = arith.subi %add3A_6, %sub3A_7 : vector<16xi32>
    %jit3A = arith.constant -128 : i32
    %jit3A_9 = arith.constant 128 : i32
    %max3A = vector.broadcast %jit3A : i32 to vector<16xi32>
    %max3A_10 = arith.maxsi %max3A, %sub3A_8 : vector<16xi32>
    %min3A = vector.broadcast %jit3A_9 : i32 to vector<16xi32>
    %min3A_11 = arith.minsi %min3A, %max3A_10 : vector<16xi32>
    %add3A_12 = arith.constant 128 : i32
    %add3A_13 = vector.broadcast %add3A_12 : i32 to vector<16xi32>
    %add3A_14 = arith.addi %min3A_11, %add3A_13 : vector<16xi32>
    %swap3A = arith.constant 0 : index
    %swap3A_15 = tpu.vector_load %arg4[%swap3A] {strides = array<i32>} : memref<72xi32, #tpu.memory_space<vmem>>, vector<16xi32>,
    %swap3A_16 = vector.shape_cast %swap3A_15 : vector<16xi32> to vector<16xi32>
    %swap3A_17 = vector.shape_cast %add3A_14 : vector<16xi32> to vector<16xi32>
    tpu.vector_store %arg4[%swap3A], %swap3A_17 {strides = array<i32>} : memref<72xi32, #tpu.memory_space<vmem>>, vector<16xi32>,
    %add3A_18 = arith.constant 16 : i32
    %add3A_19 = arith.addi %mul3A_2, %add3A_18 : i32
    %iota3A_20 = tpu.iota {dimensions = array<i32: 0>} : vector<16xi32>
    %add3A_21 = vector.broadcast %add3A_19 : i32 to vector<16xi32>
    %add3A_22 = arith.addi %add3A_21, %iota3A_20 : vector<16xi32>
    %sub3A_23 = arith.constant 1152 : i32
    %sub3A_24 = vector.broadcast %sub3A_23 : i32 to vector<16xi32>
    %sub3A_25 = arith.subi %add3A_22, %sub3A_24 : vector<16xi32>
    %jit3A_26 = arith.constant -128 : i32
    %jit3A_27 = arith.constant 128 : i32
    %max3A_28 = vector.broadcast %jit3A_26 : i32 to vector<16xi32>
    %max3A_29 = arith.maxsi %max3A_28, %sub3A_25 : vector<16xi32>
    %min3A_30 = vector.broadcast %jit3A_27 : i32 to vector<16xi32>
    %min3A_31 = arith.minsi %min3A_30, %max3A_29 : vector<16xi32>
    %add3A_32 = arith.constant 128 : i32
    %add3A_33 = vector.broadcast %add3A_32 : i32 to vector<16xi32>
    %add3A_34 = arith.addi %min3A_31, %add3A_33 : vector<16xi32>
    %swap3A_35 = arith.constant 16 : index
    %swap3A_36 = tpu.vector_load %arg4[%swap3A_35] {strides = array<i32>} : memref<72xi32, #tpu.memory_space<vmem>>, vector<16xi32>,
    %swap3A_37 = vector.shape_cast %swap3A_36 : vector<16xi32> to vector<16xi32>
    %swap3A_38 = vector.shape_cast %add3A_34 : vector<16xi32> to vector<16xi32>
    tpu.vector_store %arg4[%swap3A_35], %swap3A_38 {strides = array<i32>} : memref<72xi32, #tpu.memory_space<vmem>>, vector<16xi32>,
    %add3A_39 = arith.constant 32 : i32
    %add3A_40 = arith.addi %mul3A_2, %add3A_39 : i32
    %iota3A_41 = tpu.iota {dimensions = array<i32: 0>} : vector<16xi32>
    %add3A_42 = vector.broadcast %add3A_40 : i32 to vector<16xi32>
    %add3A_43 = arith.addi %add3A_42, %iota3A_41 : vector<16xi32>
    %sub3A_44 = arith.constant 1152 : i32
    %sub3A_45 = vector.broadcast %sub3A_44 : i32 to vector<16xi32>
    %sub3A_46 = arith.subi %add3A_43, %sub3A_45 : vector<16xi32>
    %jit3A_47 = arith.constant -128 : i32
    %jit3A_48 = arith.constant 128 : i32
    %max3A_49 = vector.broadcast %jit3A_47 : i32 to vector<16xi32>
    %max3A_50 = arith.maxsi %max3A_49, %sub3A_46 : vector<16xi32>
    %min3A_51 = vector.broadcast %jit3A_48 : i32 to vector<16xi32>
    %min3A_52 = arith.minsi %min3A_51, %max3A_50 : vector<16xi32>
    %add3A_53 = arith.constant 128 : i32
    %add3A_54 = vector.broadcast %add3A_53 : i32 to vector<16xi32>
    %add3A_55 = arith.addi %min3A_52, %add3A_54 : vector<16xi32>
    %swap3A_56 = arith.constant 32 : index
    %swap3A_57 = tpu.vector_load %arg4[%swap3A_56] {strides = array<i32>} : memref<72xi32, #tpu.memory_space<vmem>>, vector<16xi32>,
    %swap3A_58 = vector.shape_cast %swap3A_57 : vector<16xi32> to vector<16xi32>
    %swap3A_59 = vector.shape_cast %add3A_55 : vector<16xi32> to vector<16xi32>
    tpu.vector_store %arg4[%swap3A_56], %swap3A_59 {strides = array<i32>} : memref<72xi32, #tpu.memory_space<vmem>>, vector<16xi32>,
    %add3A_60 = arith.constant 48 : i32
    %add3A_61 = arith.addi %mul3A_2, %add3A_60 : i32
    %iota3A_62 = tpu.iota {dimensions = array<i32: 0>} : vector<16xi32>
    %add3A_63 = vector.broadcast %add3A_61 : i32 to vector<16xi32>
    %add3A_64 = arith.addi %add3A_63, %iota3A_62 : vector<16xi32>
    %sub3A_65 = arith.constant 1152 : i32
    %sub3A_66 = vector.broadcast %sub3A_65 : i32 to vector<16xi32>
    %sub3A_67 = arith.subi %add3A_64, %sub3A_66 : vector<16xi32>
    %jit3A_68 = arith.constant -128 : i32
    %jit3A_69 = arith.constant 128 : i32
    %max3A_70 = vector.broadcast %jit3A_68 : i32 to vector<16xi32>
    %max3A_71 = arith.maxsi %max3A_70, %sub3A_67 : vector<16xi32>
    %min3A_72 = vector.broadcast %jit3A_69 : i32 to vector<16xi32>
    %min3A_73 = arith.minsi %min3A_72, %max3A_71 : vector<16xi32>
    %add3A_74 = arith.constant 128 : i32
    %add3A_75 = vector.broadcast %add3A_74 : i32 to vector<16xi32>
    %add3A_76 = arith.addi %min3A_73, %add3A_75 : vector<16xi32>
    %swap3A_77 = arith.constant 48 : index
    %swap3A_78 = tpu.vector_load %arg4[%swap3A_77] {strides = array<i32>} : memref<72xi32, #tpu.memory_space<vmem>>, vector<16xi32>,
    %swap3A_79 = vector.shape_cast %swap3A_78 : vector<16xi32> to vector<16xi32>
    %swap3A_80 = vector.shape_cast %add3A_76 : vector<16xi32> to vector<16xi32>
    tpu.vector_store %arg4[%swap3A_77], %swap3A_80 {strides = array<i32>} : memref<72xi32, #tpu.memory_space<vmem>>, vector<16xi32>,
    %add3A_81 = arith.constant 56 : i32
    %add3A_82 = arith.addi %mul3A_2, %add3A_81 : i32
    %iota3A_83 = tpu.iota {dimensions = array<i32: 0>} : vector<16xi32>
    %add3A_84 = vector.broadcast %add3A_82 : i32 to vector<16xi32>
    %add3A_85 = arith.addi %add3A_84, %iota3A_83 : vector<16xi32>
    %sub3A_86 = arith.constant 1152 : i32
    %sub3A_87 = vector.broadcast %sub3A_86 : i32 to vector<16xi32>
    %sub3A_88 = arith.subi %add3A_85, %sub3A_87 : vector<16xi32>
    %jit3A_89 = arith.constant -128 : i32
    %jit3A_90 = arith.constant 128 : i32
    %max3A_91 = vector.broadcast %jit3A_89 : i32 to vector<16xi32>
    %max3A_92 = arith.maxsi %max3A_91, %sub3A_88 : vector<16xi32>
    %min3A_93 = vector.broadcast %jit3A_90 : i32 to vector<16xi32>
    %min3A_94 = arith.minsi %min3A_93, %max3A_92 : vector<16xi32>
    %add3A_95 = arith.constant 128 : i32
    %add3A_96 = vector.broadcast %add3A_95 : i32 to vector<16xi32>
    %add3A_97 = arith.addi %min3A_94, %add3A_96 : vector<16xi32>
    %swap3A_98 = arith.constant 56 : index
    %swap3A_99 = tpu.vector_load %arg4[%swap3A_98] {strides = array<i32>} : memref<72xi32, #tpu.memory_space<vmem>>, vector<16xi32>,
    %swap3A_100 = vector.shape_cast %swap3A_99 : vector<16xi32> to vector<16xi32>
    %swap3A_101 = vector.shape_cast %add3A_97 : vector<16xi32> to vector<16xi32>
    tpu.vector_store %arg4[%swap3A_98], %swap3A_101 {strides = array<i32>} : memref<72xi32, #tpu.memory_space<vmem>>, vector<16xi32>,
    %dma_start3A = arith.constant 0 : i32
    %dma_start3A_102 = arith.constant 0 : i32
    %dma_start3A_103 = tpu.memref_slice %arg2[%dma_start3A, %dma_start3A_102] : memref<257x128xf32, #tpu.memory_space<hbm>> -> memref<257x128xf32, #tpu.memory_space<hbm>>
    tpu.enqueue_indirect_dma source(%dma_start3A_103 : memref<257x128xf32, #tpu.memory_space<hbm>>) target(%arg5 : memref<72x128xf32, #tpu.memory_space<vmem>>) offsets(%arg4 : memref<72xi32, #tpu.memory_space<vmem>>) semaphore(%arg6 : memref<!tpu.dma_semaphore, #tpu.memory_space<semaphore_mem>>)
    %dma_wait3A = arith.constant 0 : i32
    %dma_wait3A_104 = arith.constant 0 : i32
    %dma_wait3A_105 = tpu.memref_slice %arg2[%dma_wait3A, %dma_wait3A_104] : memref<257x128xf32, #tpu.memory_space<hbm>> -> memref<257x128xf32, #tpu.memory_space<hbm>>
    tpu.wait_indirect_dma semaphore(%arg6 : memref<!tpu.dma_semaphore, #tpu.memory_space<semaphore_mem>>) src(%dma_wait3A_105 : memref<257x128xf32, #tpu.memory_space<hbm>>) dst(%arg5 : memref<72x128xf32, #tpu.memory_space<vmem>>)
    "tpu.region"() ({
      %run_scoped3A = tpu.sem_alloc : memref<!tpu.dma_semaphore, #tpu.memory_space<semaphore_mem>>
      %dma_start3A_106 = arith.constant 0 : i32
      %dma_start3A_107 = tpu.memref_slice %arg3[%mul3A_2, %dma_start3A_106] : memref<2304x128xf32, #tpu.memory_space<hbm>> -> memref<72x128xf32, #tpu.memory_space<hbm>>
      %dma_start3A_108 = arith.constant 0 : i32
      %dma_start3A_109 = tpu.memref_slice %arg3[%mul3A_2, %dma_start3A_108] : memref<2304x128xf32, #tpu.memory_space<hbm>> -> memref<72x128xf32, #tpu.memory_space<hbm>>
      tpu.enqueue_dma source(%arg5 : memref<72x128xf32, #tpu.memory_space<vmem>>) target(%dma_start3A_109 : memref<72x128xf32, #tpu.memory_space<hbm>>) target_semaphore(%run_scoped3A : memref<!tpu.dma_semaphore, #tpu.memory_space<semaphore_mem>>)
      %dma_wait3A_110 = arith.constant 0 : i32
      %dma_wait3A_111 = tpu.memref_slice %arg3[%mul3A_2, %dma_wait3A_110] : memref<2304x128xf32, #tpu.memory_space<hbm>> -> memref<72x128xf32, #tpu.memory_space<hbm>>
      %dma_wait3A_112 = arith.constant 0 : i32
      %dma_wait3A_113 = tpu.memref_slice %arg3[%mul3A_2, %dma_wait3A_112] : memref<2304x128xf32, #tpu.memory_space<hbm>> -> memref<72x128xf32, #tpu.memory_space<hbm>>
      tpu.wait_dma2 semaphore(%run_scoped3A : memref<!tpu.dma_semaphore, #tpu.memory_space<semaphore_mem>>) src(%arg5 : memref<72x128xf32, #tpu.memory_space<vmem>>) dst(%dma_wait3A_113 : memref<72x128xf32, #tpu.memory_space<hbm>>)
      tpu.yield
    }) : () -> ()
    return
  }
}

module attributes {stable_mosaic.version = 14 : i64} {
  func.func @_tc_stream_body(%arg0: i32, %arg1: memref<2304x128xf32, #tpu.memory_space<vmem>>, %arg2: memref<8x1024x128xf32, #tpu.memory_space<vmem>>) attributes {dimension_semantics = [#tpu.dimension_semantics<arbitrary>], iteration_bounds = array<i64: 128>, scalar_prefetch = 0 : i64, scratch_operands = 0 : i64, tpu.core_type = #tpu.core_type<tc>, window_params = [{pipeline_mode = #tpu.pipeline_mode<synchronous>, transform_indices = @transform_0, window_bounds = array<i64: 2304, 128>}, {transform_indices = @transform_1, window_bounds = array<i64: 8, 1024, 128>}]} {
    %mul3A = arith.constant 8 : i32
    %mul3A_0 = arith.muli %arg0, %mul3A : i32
    %add3A = arith.constant 0 : i32
    %add3A_1 = arith.addi %mul3A_0, %add3A : i32
    %sub3A = arith.constant 1152 : i32
    %sub3A_2 = arith.subi %sub3A, %add3A_1 : i32
    %get3A = arith.index_cast %sub3A_2 : i32 to index
    %get3A_3 = arith.constant 0 : index
    %get3A_4 = vector.load %arg1[%get3A, %get3A_3] : memref<2304x128xf32, #tpu.memory_space<vmem>>, vector<1024x128xf32>
    %swap3A = arith.constant 0 : index
    %swap3A_5 = arith.constant 0 : index
    %swap3A_6 = arith.constant 0 : index
    %swap3A_7 = vector.load %arg2[%swap3A, %swap3A_5, %swap3A_6] : memref<8x1024x128xf32, #tpu.memory_space<vmem>>, vector<1x1024x128xf32>
    %swap3A_8 = vector.shape_cast %swap3A_7 : vector<1x1024x128xf32> to vector<1024x128xf32>
    %swap3A_9 = vector.shape_cast %get3A_4 : vector<1024x128xf32> to vector<1x1024x128xf32>
    tpu.vector_store %arg2[%swap3A, %swap3A_5, %swap3A_6], %swap3A_9 {strides = array<i32>} : memref<8x1024x128xf32, #tpu.memory_space<vmem>>, vector<1x1024x128xf32>,
    %add3A_10 = arith.constant 1 : i32
    %add3A_11 = arith.addi %mul3A_0, %add3A_10 : i32
    %sub3A_12 = arith.constant 1152 : i32
    %sub3A_13 = arith.subi %sub3A_12, %add3A_11 : i32
    %get3A_14 = arith.index_cast %sub3A_13 : i32 to index
    %get3A_15 = arith.constant 0 : index
    %get3A_16 = vector.load %arg1[%get3A_14, %get3A_15] : memref<2304x128xf32, #tpu.memory_space<vmem>>, vector<1024x128xf32>
    %swap3A_17 = arith.constant 1 : index
    %swap3A_18 = arith.constant 0 : index
    %swap3A_19 = arith.constant 0 : index
    %swap3A_20 = vector.load %arg2[%swap3A_17, %swap3A_18, %swap3A_19] : memref<8x1024x128xf32, #tpu.memory_space<vmem>>, vector<1x1024x128xf32>
    %swap3A_21 = vector.shape_cast %swap3A_20 : vector<1x1024x128xf32> to vector<1024x128xf32>
    %swap3A_22 = vector.shape_cast %get3A_16 : vector<1024x128xf32> to vector<1x1024x128xf32>
    tpu.vector_store %arg2[%swap3A_17, %swap3A_18, %swap3A_19], %swap3A_22 {strides = array<i32>} : memref<8x1024x128xf32, #tpu.memory_space<vmem>>, vector<1x1024x128xf32>,
    %add3A_23 = arith.constant 2 : i32
    %add3A_24 = arith.addi %mul3A_0, %add3A_23 : i32
    %sub3A_25 = arith.constant 1152 : i32
    %sub3A_26 = arith.subi %sub3A_25, %add3A_24 : i32
    %get3A_27 = arith.index_cast %sub3A_26 : i32 to index
    %get3A_28 = arith.constant 0 : index
    %get3A_29 = vector.load %arg1[%get3A_27, %get3A_28] : memref<2304x128xf32, #tpu.memory_space<vmem>>, vector<1024x128xf32>
    %swap3A_30 = arith.constant 2 : index
    %swap3A_31 = arith.constant 0 : index
    %swap3A_32 = arith.constant 0 : index
    %swap3A_33 = vector.load %arg2[%swap3A_30, %swap3A_31, %swap3A_32] : memref<8x1024x128xf32, #tpu.memory_space<vmem>>, vector<1x1024x128xf32>
    %swap3A_34 = vector.shape_cast %swap3A_33 : vector<1x1024x128xf32> to vector<1024x128xf32>
    %swap3A_35 = vector.shape_cast %get3A_29 : vector<1024x128xf32> to vector<1x1024x128xf32>
    tpu.vector_store %arg2[%swap3A_30, %swap3A_31, %swap3A_32], %swap3A_35 {strides = array<i32>} : memref<8x1024x128xf32, #tpu.memory_space<vmem>>, vector<1x1024x128xf32>,
    %add3A_36 = arith.constant 3 : i32
    %add3A_37 = arith.addi %mul3A_0, %add3A_36 : i32
    %sub3A_38 = arith.constant 1152 : i32
    %sub3A_39 = arith.subi %sub3A_38, %add3A_37 : i32
    %get3A_40 = arith.index_cast %sub3A_39 : i32 to index
    %get3A_41 = arith.constant 0 : index
    %get3A_42 = vector.load %arg1[%get3A_40, %get3A_41] : memref<2304x128xf32, #tpu.memory_space<vmem>>, vector<1024x128xf32>
    %swap3A_43 = arith.constant 3 : index
    %swap3A_44 = arith.constant 0 : index
    %swap3A_45 = arith.constant 0 : index
    %swap3A_46 = vector.load %arg2[%swap3A_43, %swap3A_44, %swap3A_45] : memref<8x1024x128xf32, #tpu.memory_space<vmem>>, vector<1x1024x128xf32>
    %swap3A_47 = vector.shape_cast %swap3A_46 : vector<1x1024x128xf32> to vector<1024x128xf32>
    %swap3A_48 = vector.shape_cast %get3A_42 : vector<1024x128xf32> to vector<1x1024x128xf32>
    tpu.vector_store %arg2[%swap3A_43, %swap3A_44, %swap3A_45], %swap3A_48 {strides = array<i32>} : memref<8x1024x128xf32, #tpu.memory_space<vmem>>, vector<1x1024x128xf32>,
    %add3A_49 = arith.constant 4 : i32
    %add3A_50 = arith.addi %mul3A_0, %add3A_49 : i32
    %sub3A_51 = arith.constant 1152 : i32
    %sub3A_52 = arith.subi %sub3A_51, %add3A_50 : i32
    %get3A_53 = arith.index_cast %sub3A_52 : i32 to index
    %get3A_54 = arith.constant 0 : index
    %get3A_55 = vector.load %arg1[%get3A_53, %get3A_54] : memref<2304x128xf32, #tpu.memory_space<vmem>>, vector<1024x128xf32>
    %swap3A_56 = arith.constant 4 : index
    %swap3A_57 = arith.constant 0 : index
    %swap3A_58 = arith.constant 0 : index
    %swap3A_59 = vector.load %arg2[%swap3A_56, %swap3A_57, %swap3A_58] : memref<8x1024x128xf32, #tpu.memory_space<vmem>>, vector<1x1024x128xf32>
    %swap3A_60 = vector.shape_cast %swap3A_59 : vector<1x1024x128xf32> to vector<1024x128xf32>
    %swap3A_61 = vector.shape_cast %get3A_55 : vector<1024x128xf32> to vector<1x1024x128xf32>
    tpu.vector_store %arg2[%swap3A_56, %swap3A_57, %swap3A_58], %swap3A_61 {strides = array<i32>} : memref<8x1024x128xf32, #tpu.memory_space<vmem>>, vector<1x1024x128xf32>,
    %add3A_62 = arith.constant 5 : i32
    %add3A_63 = arith.addi %mul3A_0, %add3A_62 : i32
    %sub3A_64 = arith.constant 1152 : i32
    %sub3A_65 = arith.subi %sub3A_64, %add3A_63 : i32
    %get3A_66 = arith.index_cast %sub3A_65 : i32 to index
    %get3A_67 = arith.constant 0 : index
    %get3A_68 = vector.load %arg1[%get3A_66, %get3A_67] : memref<2304x128xf32, #tpu.memory_space<vmem>>, vector<1024x128xf32>
    %swap3A_69 = arith.constant 5 : index
    %swap3A_70 = arith.constant 0 : index
    %swap3A_71 = arith.constant 0 : index
    %swap3A_72 = vector.load %arg2[%swap3A_69, %swap3A_70, %swap3A_71] : memref<8x1024x128xf32, #tpu.memory_space<vmem>>, vector<1x1024x128xf32>
    %swap3A_73 = vector.shape_cast %swap3A_72 : vector<1x1024x128xf32> to vector<1024x128xf32>
    %swap3A_74 = vector.shape_cast %get3A_68 : vector<1024x128xf32> to vector<1x1024x128xf32>
    tpu.vector_store %arg2[%swap3A_69, %swap3A_70, %swap3A_71], %swap3A_74 {strides = array<i32>} : memref<8x1024x128xf32, #tpu.memory_space<vmem>>, vector<1x1024x128xf32>,
    %add3A_75 = arith.constant 6 : i32
    %add3A_76 = arith.addi %mul3A_0, %add3A_75 : i32
    %sub3A_77 = arith.constant 1152 : i32
    %sub3A_78 = arith.subi %sub3A_77, %add3A_76 : i32
    %get3A_79 = arith.index_cast %sub3A_78 : i32 to index
    %get3A_80 = arith.constant 0 : index
    %get3A_81 = vector.load %arg1[%get3A_79, %get3A_80] : memref<2304x128xf32, #tpu.memory_space<vmem>>, vector<1024x128xf32>
    %swap3A_82 = arith.constant 6 : index
    %swap3A_83 = arith.constant 0 : index
    %swap3A_84 = arith.constant 0 : index
    %swap3A_85 = vector.load %arg2[%swap3A_82, %swap3A_83, %swap3A_84] : memref<8x1024x128xf32, #tpu.memory_space<vmem>>, vector<1x1024x128xf32>
    %swap3A_86 = vector.shape_cast %swap3A_85 : vector<1x1024x128xf32> to vector<1024x128xf32>
    %swap3A_87 = vector.shape_cast %get3A_81 : vector<1024x128xf32> to vector<1x1024x128xf32>
    tpu.vector_store %arg2[%swap3A_82, %swap3A_83, %swap3A_84], %swap3A_87 {strides = array<i32>} : memref<8x1024x128xf32, #tpu.memory_space<vmem>>, vector<1x1024x128xf32>,
    %add3A_88 = arith.constant 7 : i32
    %add3A_89 = arith.addi %mul3A_0, %add3A_88 : i32
    %sub3A_90 = arith.constant 1152 : i32
    %sub3A_91 = arith.subi %sub3A_90, %add3A_89 : i32
    %get3A_92 = arith.index_cast %sub3A_91 : i32 to index
    %get3A_93 = arith.constant 0 : index
    %get3A_94 = vector.load %arg1[%get3A_92, %get3A_93] : memref<2304x128xf32, #tpu.memory_space<vmem>>, vector<1024x128xf32>
    %swap3A_95 = arith.constant 7 : index
    %swap3A_96 = arith.constant 0 : index
    %swap3A_97 = arith.constant 0 : index
    %swap3A_98 = vector.load %arg2[%swap3A_95, %swap3A_96, %swap3A_97] : memref<8x1024x128xf32, #tpu.memory_space<vmem>>, vector<1x1024x128xf32>
    %swap3A_99 = vector.shape_cast %swap3A_98 : vector<1x1024x128xf32> to vector<1024x128xf32>
    %swap3A_100 = vector.shape_cast %get3A_94 : vector<1024x128xf32> to vector<1x1024x128xf32>
    tpu.vector_store %arg2[%swap3A_95, %swap3A_96, %swap3A_97], %swap3A_100 {strides = array<i32>} : memref<8x1024x128xf32, #tpu.memory_space<vmem>>, vector<1x1024x128xf32>,
    return
  }
  func.func @transform_0(%arg0: i32) -> (i32, i32) {
    %c0_i32 = arith.constant 0 : i32
    %c0_i32_0 = arith.constant 0 : i32
    %c0_i32_1 = arith.constant 0 : i32
    return %c0_i32, %c0_i32_0 : i32, i32
  }
  func.func @transform_1(%arg0: i32) -> (i32, i32, i32) {
    %c0_i32 = arith.constant 0 : i32
    %c0_i32_0 = arith.constant 0 : i32
    %c0_i32_1 = arith.constant 0 : i32
    return %arg0, %c0_i32, %c0_i32_0 : i32, i32, i32
  }
}

</mosaic_0001>

<sc_bundles>
// kernel: kernel.4.cloned.1.call-start
scs
__scs_entry_jumppad:
0x0: {  	(pc) =	sbr.rel $0x88, $3  }
0x1: {  	(tag) =	ssettag $0x0;
	lr =	simm.s32 $0x1  }
0x2: {  	[smem:$0x3FA0] =	sst lr;
	_ =	strace $0xD0000000  }
0x3: {  	_ = 	snop  }
0x4: {  	_ = 	snop  }
0x5: {  	_ = 	snop  }
0x6: {  	_ = 	snop  }
0x7: {  	_ = 	snop  }
__scs_overlays_trampoline_lowered:
0x8: {  	[smem:$0x3FAF] =	sst s0  }
0x9: {  	[smem:$0x3FB0] =	sst s1  }
0xa: {  	[smem:$0x3FB1] =	sst s2  }
0xb: {  	[smem:$0x3FB2] =	sst s3  }
0xc: {  	[smem:$0x3FB3] =	sst s4  }
0xd: {  	[smem:$0x3FB4] =	sst s5  }
0xe: {  	[smem:$0x3FB5] =	sst s6  }
0xf: {  	[smem:$0x3FB6] =	sst s7  }
0x10: {  	[smem:$0x3FB7] =	sst s8  }
0x11: {  	[smem:$0x3FB8] =	sst s9;
	s0 =	simm.s32 @!p0 $0x0  }
0x12: {  	s1 =	sld [smem:$0x3F9E];
	s0 =	simm.s32 @p0 $0x1  }
0x13: {  	[smem:$0x3FB9] =	sst s0;
	s0 =	simm.s32 @!p1 $0x0  }
0x14: {  	s2 =	sld [smem:$0x3F9D];
	s0 =	simm.s32 @p1 $0x1  }
0x15: {  	[smem:$0x3FBA] =	sst s0;
	s0 =	simm.s32 @!p2 $0x0  }
0x16: {  	s3 =	sld [smem:$0x3FDB];
	s0 =	simm.s32 @p2 $0x1  }
0x17: {  	s4 =	simm.s32 $0x1BF5;
	[smem:$0x3FBC] =	sst s0  }
0x18: {  	s0 =	sld [smem:$0x3F9F];
	_ =	swait.ge [sflag:s4], $0x0  }
0x19: {  	s7 =	sld [smem:$0x3FA0]  }
0x1a: {  	s8 =	sadd.s32 $0xFFFFE003, lr  }
0x1b: {  	s9 =	sadd.s32 $0xFFFFFEF7, lr;
	s5 =	simm.s32 $0xFFFFFFFF;
	p2 =	slt.u32 s8, $0xFFFFF086  }
0x1c: {  	p1 =	slt.u32 s9, $0xF7A;
	s5 =	simm.s32 @!p2 $0x0  }
0x1d: {  	s5 =	simm.s32 @p1 $0x1;
	p0 =	seq.s32 s7, s2  }
0x1e: {  	s7 =	smul.u32 @!p0 $0xF7A, s2;
	p2 =	seq.s32 @!p0 s5, $0x0  }
0x1f: {  	s9 =	smul.u32 $0xF7A, s1;
	s8 =	simm.s32 @!p0 $0x1BF5;
	p2 =	por !p2, p0  }
0x20: {  	[sflag:s8] =	ssyncset.s32 @!p0 $0xFFFFF086;
	s6 =	sadd.s32 @!p0 s3, s7;
	s7 =	simm.s32 @!p0 $0x108  }
0x21: {  	s3 =	sadd.s32 s3, s9;
	s6 =	sadd.s32 @!p0 $0x88, s6;
	s7 =	simm.s32 @p2 $0x1082  }
0x22: {  	[simem:s7], [sflag:s8] =	dma.local @!p0 [hbm:s6], $0xF7A  }
0x23: {  	s9 =	sor.u32 $0xD0000000, s2;
	s6 =	simm.s32 $0x108;
	_ =	swait.ge @!p0 [sflag:s8], $0x0  }
0x24: {  	s3 =	sadd.s32 $0x88, s3;
	s6 =	simm.s32 @!p1 $0x1082;
	[sflag:s4] =	ssyncset.s32 $0xFFFFF086  }
0x25: {  	[simem:s6], [sflag:s4] =	dma.local [hbm:s3], $0xF7A  }
0x26: {  	[smem:$0x3FA0] =	sst s1;
	(tag) =	ssettag s2;
	_ =	strace s9  }
0x27: {  	s1 =	sld [smem:$0x3FB0]  }
0x28: {  	s2 =	sld [smem:$0x3FB1]  }
0x29: {  	s4 =	sld [smem:$0x3FB3]  }
0x2a: {  	p0 =	seq.s32 s5, $0x0;
	s5 =	sld [smem:$0x3FB4]  }
0x2b: {  	s6 =	sld [smem:$0x3FB5]  }
0x2c: {  	s7 =	sld [smem:$0x3FB6]  }
0x2d: {  	s3 =	simm.s32 $0x108;
	s8 =	sld [smem:$0x3FB7]  }
0x2e: {  	s3 =	simm.s32 @!p0 $0x1082;
	s9 =	sld [smem:$0x3FB8]  }
0x2f: {  	lr =	sadd.s32 s0, s3;
	s0 =	sld [smem:$0x3FAF]  }
0x30: {  	s3 =	sld [smem:$0x3FB2]  }
0x31: {  	[smem:$0x3FBB] =	sst s10  }
0x32: {  	s10 =	sld [smem:$0x3FB9];
	_ =	sdelay $0x3  }
0x33: {  	p0 =	seq.s32 s10, $0x1;
	s10 =	sld [smem:$0x3FBB];
	_ =	sdelay $0x3  }
0x34: {  	[smem:$0x3FBB] =	sst s10  }
0x35: {  	s10 =	sld [smem:$0x3FBA];
	_ =	sdelay $0x3  }
0x36: {  	p1 =	seq.s32 s10, $0x1;
	s10 =	sld [smem:$0x3FBB];
	_ =	sdelay $0x3  }
0x37: {  	[smem:$0x3FBB] =	sst s10  }
0x38: {  	s10 =	sld [smem:$0x3FBC]  }
0x39: {  	_ = 	snop;
	(pc) =	sbr.ind lr, $3  }
0x3a: {  	_ = 	snop  }
0x3b: {  	_ = 	snop  }
0x3c: {  	p2 =	seq.s32 s10, $0x1;
	s10 =	sld [smem:$0x3FBB]  }
0x3d: {  	_ =	shalt  }
0x3e: {  	_ =	shalt  }
0x3f: {  	_ =	shalt  }
0x40: {  	_ =	shalt  }
0x41: {  	_ =	shalt  }
0x42: {  	_ =	shalt  }
0x43: {  	_ =	shalt  }
0x44: {  	_ =	shalt  }
0x45: {  	_ =	shalt  }
0x46: {  	_ =	shalt  }
0x47: {  	_ =	shalt  }
0x48: {  	_ =	shalt  }
0x49: {  	_ =	shalt  }
0x4a: {  	_ =	shalt  }
0x4b: {  	_ =	shalt  }
0x4c: {  	_ =	shalt  }
0x4d: {  	_ =	shalt  }
0x4e: {  	_ =	shalt  }
0x4f: {  	_ =	shalt  }
0x50: {  	_ =	shalt  }
0x51: {  	_ =	shalt  }
0x52: {  	_ =	shalt  }
0x53: {  	_ =	shalt  }
0x54: {  	_ =	shalt  }
0x55: {  	_ =	shalt  }
0x56: {  	_ =	shalt  }
0x57: {  	_ =	shalt  }
0x58: {  	_ =	shalt  }
0x59: {  	_ =	shalt  }
0x5a: {  	_ =	shalt  }
0x5b: {  	_ =	shalt  }
0x5c: {  	_ =	shalt  }
0x5d: {  	_ =	shalt  }
0x5e: {  	_ =	shalt  }
0x5f: {  	_ =	shalt  }
0x60: {  	_ =	shalt  }
0x61: {  	_ =	shalt  }
0x62: {  	_ =	shalt  }
0x63: {  	_ =	shalt  }
0x64: {  	_ =	shalt  }
0x65: {  	_ =	shalt  }
0x66: {  	_ =	shalt  }
0x67: {  	_ =	shalt  }
0x68: {  	_ =	shalt  }
0x69: {  	_ =	shalt  }
0x6a: {  	_ =	shalt  }
0x6b: {  	_ =	shalt  }
0x6c: {  	_ =	shalt  }
0x6d: {  	_ =	shalt  }
0x6e: {  	_ =	shalt  }
0x6f: {  	_ =	shalt  }
0x70: {  	_ =	shalt  }
0x71: {  	_ =	shalt  }
0x72: {  	_ =	shalt  }
0x73: {  	_ =	shalt  }
0x74: {  	_ =	shalt  }
0x75: {  	_ =	shalt  }
0x76: {  	_ =	shalt  }
0x77: {  	_ =	shalt  }
0x78: {  	_ =	shalt  }
0x79: {  	_ =	shalt  }
0x7a: {  	_ =	shalt  }
0x7b: {  	_ =	shalt  }
0x7c: {  	_ =	shalt  }
0x7d: {  	_ =	shalt  }
0x7e: {  	_ =	shalt  }
0x7f: {  	_ =	shalt  }
0x80: {  	_ =	shalt  }
0x81: {  	_ =	shalt  }
0x82: {  	_ =	shalt  }
0x83: {  	_ =	shalt  }
0x84: {  	_ =	shalt  }
0x85: {  	_ =	shalt  }
0x86: {  	_ =	shalt  }
0x87: {  	_ =	shalt  }
.Lfunc_end0:
.L_simem_size_0:
called_computation_lowered:
.L_overlay_start_0:
0x88: {  	s2 =	sld [smem:$0x3FD9]  }
0x89: {  	s3 =	sld [smem:$0x3FFE];
	_ =	sdelay $0x1  }
0x8a: {  	s1 =	srdreg.scid  }
0x8b: {  	s0 =	sand.u32 $0x1, s1  }
0x8c: {  	s18 =	sshll.u32 s0, $0xA;
	s2 =	sadd.s32 s3, s2  }
0x8d: {  	s2 =	sadd.s32 s2, s18  }
0x8e: {  	[smem:$0x3FC7] =	sst s2  }
0x8f: {  	_ = 	snop  }
0x90: {  	s2 =	sld [smem:$0x3FC9]  }
0x91: {  	s19 =	sld [smem:$0x3FD0];
	(tm) =	ssettm $0x1  }
0x92: {  	s4 =	sld [smem:$0x3FFB];
	_ =	sdelay $0x3  }
0x93: {  	_ =	strace s4  }
0x94: {  	s4 =	sld [smem:$0x3FFC];
	_ =	sdelay $0x3  }
0x95: {  	_ =	strace s4  }
0x96: {  	s4 =	sld [smem:$0x3FFD];
	_ =	sdelay $0x3  }
0x97: {  	_ =	strace s4  }
0x98: {  	_ =	strace $0x8FFFFFFF  }
0x99: {  	s20 =	sld [smem:$0x3FDB];
	_ =	sdelay $0x1  }
0x9a: {  	s5 =	simm.s32 $_scs_section_size  }
0x9b: {  	s6 =	simm.s32 $_size__tile_overlayer_lowered;
	s7 =	simm.s32 $_tile_overlayer_lowered  }
0x9c: {  	s23 =	simm.s32 $0x1BFF;
	s22 =	sshll.u32 s7, $0x1;
	s4 =	sadd.s32 s5, s20  }
0x9d: {  	s8 =	simm.s32 $0x0;
	s21 =	sshll.u32 s6, $0x1;
	s6 =	sadd.s32 s22, s4  }
0x9e: {  	[timem:s8], [sflag:s23] =	dma.local [hbm:s6], s21  }
0x9f: {  	_ =	swait.ge [sflag:s23], s21  }
0xa0: {  	s5 =	ssub.s32 $0x0, s21;
	[sflag:s23] =	ssyncset.done $0x0  }
0xa1: {  	[sflag:s23] =	ssyncadd.s32 s5;
	_ =	sdelay $0x1  }
0xa2: {  	s24 =	simm.s32 $0x1B8B  }
0xa3: {  	_ =	swait.ge [sflag:s24], $0x1  }
0xa4: {  	[sflag:s24] =	ssyncset.done $0x0  }
0xa5: {  	s25 =	simm.s32 $0x1B8E;
	[sflag:s24] =	ssyncadd.s32 $0xFFFFFFFF  }
0xa6: {  	s26 =	simm.s32 $execute0_lowered;
	[smem:$0x3FD2] =	sst s25  }
0xa7: {  	s5 =	sshll.u32 s26, $0x1;
	_ =	strace $0x80000046;
	[dreg:$0x1] =	wrdreg $0xFFFFFFFF  }
0xa8: {  	s28 =	simm.s32 $_size_execute0_lowered;
	s4 =	sadd.s32 s4, s5;
	[dreg:$0x0] =	wrdreg $0x0  }
0xa9: {  	s5 =	sshll.u32 s28, $0x1;
	[dreg:$0x2] =	wrdreg s4  }
0xaa: {  	[dreg:$0x3] =	wrdreg s5  }
0xab: {  	[dreg:$0x4] =	wrdreg $0xC0  }
0xac: {  	_ =	task [dreg:s8], $0x5FFFF  }
0xad: {  	[dreg:$0x1] =	wrdreg $0xFFFFFFFF  }
0xae: {  	[dreg:$0x0] =	wrdreg $0x60  }
0xaf: {  	[dreg:$0x2] =	wrdreg s2  }
0xb0: {  	[dreg:$0x3] =	wrdreg s19  }
0xb1: {  	[dreg:$0x4] =	wrdreg $0x9  }
0xb2: {  	_ =	task.clear_ibuf [dreg:s8], $0x5FFFF;
	_ =	strace $0x90000046  }
0xb3: {  	s29 =	simm.s32 $0x9;
	_ =	strace $0x80000048  }
0xb4: {  	_ =	swait.ge [sflag:s29], $0x1  }
0xb5: {  	[sflag:s29] =	ssyncadd.s32 $0xFFFFFFFF  }
0xb6: {  	_ =	strace $0x90000048  }
0xb7: {  	_ =	sfence  }
0xb8: {  	s30 =	sld [smem:$0x0];
	_ =	sdelay $0x2  }
0xb9: {  	s31 =	sshll.u32 s1, $0xD;
	s1 =	sshrl.u32 s1, $0x2  }
0xba: {  	s3 =	sand.u32 $0x4000, s31;
	s1 =	sadd.s32 s1, s30  }
0xbb: {  	s0 =	sor.u32 s3, s0;
	s1 =	sshll.u32 s1, $0x11  }
0xbc: {  	s0 =	sor.u32 s1, s0  }
0xbd: {  	s0 =	sadd.s32 $0x8F2B, s0  }
0xbe: {  	[sflag:s0] =	ssyncadd.remote.s32 $0x1  }
0xbf: {  	_ =	sfence.sel $0xFFFF  }
0xc0: {  	[dreg:$0x0] =	wrdreg $0xFFFFFFFF;
	(pc) =	sbr.abs _section_cstart, $3  }
0xc1: {  	[dreg:$0x1] =	wrdreg $0xFFFFFFFF  }
0xc2: {  	_ =	task.clear_ibuf [dreg:s8], $0x2FFFF;
	_ =	strace $0x9FFFFFFF  }
0xc3: {  	(tm) =	ssettm $0x7FFFFFFF  }
tec
execute0_lowered:
.L_overlay_start_1:
0x0: {  	(tag) =	ssettag $0x1  }
0x1: {  	s1 =	srdreg.scid;
	s0 =	stileid.u32  }
0x2: {  	s4 =	sand.u32 $0x1, s1;
	s26 =	sshll.u32 s0, $0x1  }
0x3: {  	s5 =	sor.u32 s4, s26  }
0x4: {  	v0 =	vlaneseq.u32;
	s6 =	smul.u32 $0x48, s5  }
0x5: {  	v0 =	vor.u32 $0xFFFFFB80, v0  }
0x6: {  	v1 =	vadd.s32 s6, v0;
	s28 =	sadd.s32 $0x10, s6  }
0x7: {  	s29 =	sadd.s32 $0x20, s6;
	s8 =	sadd.s32 $0x30, s6;
	s6 =	sadd.s32 $0x38, s6;
	vm0 =	vgt.s32 v1, $0xFFFFFF80;
	v2 =	vadd.s32 s28, v0  }
0x8: {  	v3 =	vadd.s32 s29, v0;
	v4 =	vadd.s32 s8, v0;
	v5 =	vadd.s32 s6, v0  }
0x9: {  	v1 =	vnsel vm0, $0xFFFFFF80, v1;
	vm8 =	vgt.s32 v2, $0xFFFFFF80;
	vm9 =	vgt.s32 v3, $0xFFFFFF80  }
0xa: {  	vm12 =	vgt.s32 v4, $0xFFFFFF80;
	vm13 =	vgt.s32 v5, $0xFFFFFF80;
	vm1 =	vlt.s32 v1, $0x80  }
0xb: {  	s7 =	rddreg [dreg:$0x1];
	v2 =	vnsel vm8, $0xFFFFFF80, v2;
	v3 =	vnsel vm9, $0xFFFFFF80, v3;
	v4 =	vnsel vm12, $0xFFFFFF80, v4  }
0xc: {  	s2 =	rddreg [dreg:$0x2];
	s3 =	simm.s32 $0x0;
	v5 =	vnsel vm13, $0xFFFFFF80, v5;
	v1 =	vnsel vm1, $0x80, v1;
	vm11 =	vlt.s32 v3, $0x80  }
0xd: {  	[smem:$0x7FF] =	sst s3;
	vm10 =	vlt.s32 v2, $0x80;
	v3 =	vnsel vm11, $0x80, v3;
	v0 =	vadd.s32 $0x80, v1  }
0xe: {  	s1 =	rddreg [dreg:$0x0];
	_ =	strace $0x80000047;
	vm14 =	vlt.s32 v4, $0x80;
	v2 =	vnsel vm10, $0x80, v2;
	v1 =	vadd.s32 $0x80, v3;
	[tilespmem:$0x0] =	vst v0  }
0xf: {  	s30 =	ssub.s32 $0x2, s4;
	vm15 =	vlt.s32 v5, $0x80;
	v2 =	vadd.s32 $0x80, v2;
	v3 =	vnsel vm14, $0x80, v4;
	[tilespmem:$0x20] =	vst v1  }
0x10: {  	s10 =	sshrl.u32 s30, $0x1;
	v4 =	vnsel vm15, $0x80, v5;
	v3 =	vadd.s32 $0x80, v3;
	[tilespmem:$0x10] =	vst v2  }
0x11: {  	s4 =	simm.s32 $0x48;
	s9 =	smul.u32 $0x480, s5;
	s8 =	ssub.s32 s30, s10;
	v4 =	vadd.s32 $0x80, v4;
	[tilespmem:$0x30] =	vst v3  }
0x12: {  	s5 =	simm.s32 $0x80;
	s6 =	simm.s32 $0x1;
	s31 =	smax.u32 s8, $0x1;
	[tilespmem:$0x38] =	vst v4  }
0x13: {  	[tilespmem:s5], [sflag:$0x1] =	stream.indirect.gather [hbm4b:s1+s4], $0x80, s3, s4, $0xb8;
	[tilespmem:$0x2480] =	vst v63  }
0x14: {  	p0 =	sne.s32 s31, $0x1;
	_ =	swait.ge [sflag:s6], $0x2400  }
.Ltmp0:
0x15: {  	[sflag:s6] =	ssyncset.done $0x0;
	(pc) =	sbr.rel @!p0 .LBB2_2-.Ltmp0, $4  }
0x16: {  	s7 =	sadd.s32 s7, s9;
	s8 =	simm.s32 $0x2;
	[sflag:s6] =	ssyncadd.s32 $0xFFFFDC00  }
0x17: {  	[hbm4b:s7+s3] =	stream.linear.scatter [tilespmem:s5], [sflag:$0x2], $0x2400, $0x38;
	[tilespmem:$0x2480] =	vst v63  }
0x18: {  	_ =	swait.ge [sflag:s8], $0x2400  }
0x19: {  	s9 =	sadd.s32 $0xFFFFFFFF, s31;
	[sflag:s8] =	ssyncset.done $0x0  }
.LBB2_1:
0x1a: {  	p0 =	sne.s32 s9, $0x1;
	s9 =	sadd.s32 $0xFFFFFFFF, s9;
	[sflag:s8] =	ssyncadd.s32 $0xFFFFDC00  }
0x1b: {  	[tilespmem:$0x0] =	vst v0  }
0x1c: {  	[tilespmem:$0x20] =	vst v1  }
0x1d: {  	[tilespmem:$0x10] =	vst v2  }
0x1e: {  	[tilespmem:$0x30] =	vst v3  }
0x1f: {  	[tilespmem:$0x38] =	vst v4  }
0x20: {  	[tilespmem:s5], [sflag:$0x1] =	stream.indirect.gather [hbm4b:s1+s4], $0x80, s3, s4, $0xb8;
	[tilespmem:$0x2480] =	vst v63  }
0x21: {  	_ =	swait.ge [sflag:s6], $0x2400  }
.Ltmp1:
0x22: {  	[sflag:s6] =	ssyncset.done $0x0;
	(pc) =	sbr.rel @p0 .LBB2_1-.Ltmp1, $4  }
0x23: {  	[sflag:s6] =	ssyncadd.s32 $0xFFFFDC00  }
0x24: {  	[hbm4b:s7+s3] =	stream.linear.scatter [tilespmem:s5], [sflag:$0x2], $0x2400, $0x38;
	[tilespmem:$0x2480] =	vst v63  }
0x25: {  	_ =	swait.ge [sflag:s8], $0x2400  }
0x26: {  	[sflag:s8] =	ssyncset.done $0x0  }
.LBB2_2:
0x27: {  	[sflag:s8] =	ssyncadd.s32 $0xFFFFDC00  }
0x28: {  	_ =	sfence.sel $0x180000  }
0x29: {  	[bflag:$0x0] =	sbarrier.arrive $0xFFFF  }
0x2a: {  	p0 =	sne.s32 s0, $0x0;
	_ =	strace $0x90000047  }
0x2b: {  	s0 =	sadd.s32 @!p0 $0x100000, s2;
	[bflag:$0x2] =	sbarrier.arrive $0xFFFF  }
0x2c: {  	[sflag:s0] =	ssyncadd.tile.s32 @!p0 $0x1;
	_ =	shalt  }
.Lfunc_end2:
_tile_overlayer_lowered:
.L_overlay_start_2:
0x2d: {  	(tag) =	ssettag $0x2  }
0x2e: {  	s0 =	rddreg [dreg:$0x0];
	s2 =	stileid.u32  }
0x2f: {  	s1 =	rddreg [dreg:$0x1];
	p0 =	sne.s32 s2, $0x0  }
0x30: {  	s3 =	rddreg [dreg:$0x2];
	[bflag:$0x3] =	sbarrier.arrive $0xFFFF;
	s2 =	simm.s32 @!p0 $0x1C02  }
0x31: {  	[timem:s3], [sflag:s2] =	dma.local @!p0 [hbm:s0], s1  }
0x32: {  	s0 =	simm.s32 @!p0 $0x2  }
0x33: {  	_ =	swait.ge @!p0 [sflag:s0], s1  }
0x34: {  	s1 =	ssub.s32 @!p0 $0x0, s1;
	[sflag:s0] =	ssyncset.done @!p0 $0x0  }
0x35: {  	[sflag:s0] =	ssyncadd.s32 @!p0 s1  }
0x36: {  	[bflag:$0x3] =	sbarrier.arrive $0xFFFF  }
0x37: {  	_ =	shalt  }

</sc_bundles>
